<compile_context>
chip_gen: v7x
topology: tpu7x:2x2x1
jax: 0.10.2.dev20260603
libtpu: 0.0.44.dev20260713+nightly
codegen_flags: <defaults>
</compile_context>

<pallas_src>
import functools

import jax
import jax.numpy as jnp
from jax.experimental import pallas as pl
from jax.experimental.pallas import tpu as pltpu

N = 4096
D = 256
K = 256
TR = 256
GRID = N // TR


def _scores_body(rf_ref, sf_ref, s_ref, r_ref, cacc_ref):
    t = pl.program_id(0)
    m = jax.lax.dot_general(
        rf_ref[...], sf_ref[...],
        dimension_numbers=(((1,), (1,)), ((), ())),
        preferred_element_type=jnp.float32,
    )
    s = jnp.exp(-(2.0 - 2.0 * m))
    s_ref[...] = s

    x = s.reshape(TR, 32, 128)
    acc = x[:, 0, :]
    for ci in range(1, 32):
        acc = acc + x[:, ci, :]
    w = acc.reshape(TR, 16, 8)
    v8 = w[:, 0, :]
    for k in range(1, 16):
        v8 = v8 + w[:, k, :]
    v4 = v8[:, :4] + v8[:, 4:]
    v2 = v4[:, :2] + v4[:, 2:]
    r = v2[:, 0] + v2[:, 1]
    r_ref[...] = r.reshape(1, 1, TR)

    @pl.when(t % 4 == 0)
    def _():
        cacc_ref[...] = jnp.zeros_like(cacc_ref)

    acc8 = cacc_ref[...].reshape(8, N)
    for rr in range(TR // 8):
        acc8 = acc8 + s[8 * rr:8 * rr + 8, :]
    cacc_ref[...] = acc8.reshape(1, 8, N)


def _scores_call(rf, sf):
    return pl.pallas_call(
        _scores_body,
        grid=(GRID,),
        in_specs=[
            pl.BlockSpec((TR, D), lambda i: (i, 0)),
            pl.BlockSpec((N, D), lambda i: (0, 0)),
        ],
        out_specs=[
            pl.BlockSpec((TR, N), lambda i: (i, 0)),
            pl.BlockSpec((1, 1, TR), lambda i: (i, 0, 0)),
            pl.BlockSpec((1, 8, N), lambda i: (i // 4, 0, 0)),
        ],
        out_shape=[
            jax.ShapeDtypeStruct((N, N), jnp.float32),
            jax.ShapeDtypeStruct((GRID, 1, TR), jnp.float32),
            jax.ShapeDtypeStruct((4, 8, N), jnp.float32),
        ],
    )(rf, sf)


def _normalize_body(s_ref, r_ref, cpart_ref, a_ref, cm_ref):
    cp = cpart_ref[...]
    f = []
    for q in range(4):
        a8 = cp[q]
        a4 = a8[:4] + a8[4:]
        a2 = a4[:2] + a4[2:]
        f.append(a2[0] + a2[1])
    c = ((f[0] + f[1]) + f[2]) + f[3]
    s = s_ref[...]
    r = r_ref[...].reshape(TR, 1)
    t1 = s / r
    t2 = s / c.reshape(1, N)
    a = t1 * t2
    a_ref[...] = a
    cm_ref[...] = jnp.max(a, axis=1).reshape(1, 1, TR)


def _normalize_call(s, r3, cpart):
    return pl.pallas_call(
        _normalize_body,
        grid=(GRID,),
        in_specs=[
            pl.BlockSpec((TR, N), lambda i: (i, 0)),
            pl.BlockSpec((1, 1, TR), lambda i: (i, 0, 0)),
            pl.BlockSpec((4, 8, N), lambda i: (0, 0, 0)),
        ],
        out_specs=[
            pl.BlockSpec((TR, N), lambda i: (i, 0)),
            pl.BlockSpec((1, 1, TR), lambda i: (i, 0, 0)),
        ],
        out_shape=[
            jax.ShapeDtypeStruct((N, N), jnp.float32),
            jax.ShapeDtypeStruct((GRID, 1, TR), jnp.float32),
        ],
    )(s, r3, cpart)


def _threshold_body(cm_ref, t_ref):
    xb = pltpu.bitcast(cm_ref[...], jnp.int32)
    t = jnp.int32(0)
    for bit in range(30, -1, -1):
        t2 = t | jnp.int32(1 << bit)
        cnt = jnp.sum((xb >= t2).astype(jnp.int32))
        t = jnp.where(cnt >= K, t2, t)
    t_ref[0, 0] = t


def _threshold_call(cm):
    return pl.pallas_call(
        _threshold_body,
        in_specs=[pl.BlockSpec((32, 128), lambda: (0, 0))],
        out_specs=pl.BlockSpec(memory_space=pltpu.SMEM),
        out_shape=jax.ShapeDtypeStruct((1, 1), jnp.int32),
    )(cm)


def kernel(ref_feats, src_feats, ref_masks, src_masks):
    s, r3, cpart = _scores_call(ref_feats, src_feats)
    a, cm3 = _normalize_call(s, r3, cpart)
    cm = cm3.reshape(32, 128)
    tbits = _threshold_call(cm)
    del tbits
    flat = a.reshape(-1)
    corr_scores, corr_indices = jax.lax.top_k(flat, K)
    ref_idx = corr_indices // N
    src_idx = corr_indices % N
    return (ref_idx, src_idx, corr_scores)

# --- scband reference (transcript-rebuilt; emitter-appended) ---
"""Pipeline reference for scband-super-point-matching-30657476558961 (READ-ONLY COPY).

The authoritative reference and input builder live on the scoring server;
editing this copy changes nothing except your own understanding.
"""

import jax, jax.numpy as jnp
import numpy as np

NUM_CORRESPONDENCES = 256
N_REF = 4096
N_SRC = 4096
D = 256


def setup_inputs(seed: int = 0) -> dict:
    key = jax.random.key(seed)
    k1, k2 = jax.random.split(key)
    ref_feats = jax.random.normal(k1, (N_REF, D), dtype=jnp.float32)
    src_feats = jax.random.normal(k2, (N_SRC, D), dtype=jnp.float32)
    # the module assumes L2-normalized descriptors (pairwise_distance(..., normalized=True))
    ref_feats = ref_feats / jnp.linalg.norm(ref_feats, axis=1, keepdims=True)
    src_feats = src_feats / jnp.linalg.norm(src_feats, axis=1, keepdims=True)
    ref_masks = jnp.ones((N_REF,), dtype=bool)
    src_masks = jnp.ones((N_SRC,), dtype=bool)
    return {"ref_feats": ref_feats, "src_feats": src_feats, "ref_masks": ref_masks, "src_masks": src_masks}


def pairwise_distance_normalized(x, y):
    # squared L2 distance for unit-norm features: ||x-y||^2 = 2 - 2 x.y
    return 2.0 - 2.0 * jnp.matmul(x, y.T)


def reference(ref_feats, src_feats, ref_masks, src_masks):
    ref_indices = jnp.nonzero(ref_masks, size=ref_masks.shape[0])[0]
    src_indices = jnp.nonzero(src_masks, size=src_masks.shape[0])[0]
    rf = jnp.take(ref_feats, ref_indices, axis=0)
    sf = jnp.take(src_feats, src_indices, axis=0)
    matching_scores = jnp.exp(-pairwise_distance_normalized(rf, sf))
    # dual normalization
    ref_ms = matching_scores / jnp.sum(matching_scores, axis=1, keepdims=True)
    src_ms = matching_scores / jnp.sum(matching_scores, axis=0, keepdims=True)
    matching_scores = ref_ms * src_ms
    k = min(NUM_CORRESPONDENCES, matching_scores.size)
    flat = matching_scores.reshape(-1)
    corr_scores, corr_indices = jax.lax.top_k(flat, k)
    ncols = matching_scores.shape[1]
    ref_sel_indices = corr_indices // ncols
    src_sel_indices = corr_indices % ncols
    ref_corr_indices = jnp.take(ref_indices, ref_sel_indices, axis=0)
    src_corr_indices = jnp.take(src_indices, src_sel_indices, axis=0)
    return (ref_corr_indices, src_corr_indices, corr_scores)

if __name__ == "__main__":
    import jax
    _d = setup_inputs()
    print(jax.jit(kernel)(*tuple(_d.values())))

</pallas_src>

<mosaic_0001>
module attributes {stable_mosaic.version = 14 : i64} {
  func.func @_normalize_body(%arg0: i32, %arg1: memref<256x4096xf32, #tpu.memory_space<vmem>>, %arg2: memref<1x1x256xf32, #tpu.memory_space<vmem>>, %arg3: memref<4x8x4096xf32, #tpu.memory_space<vmem>>, %arg4: memref<256x4096xf32, #tpu.memory_space<vmem>>, %arg5: memref<1x1x256xf32, #tpu.memory_space<vmem>>) attributes {dimension_semantics = [#tpu.dimension_semantics<arbitrary>], iteration_bounds = array<i64: 16>, scalar_prefetch = 0 : i64, scratch_operands = 0 : i64, tpu.core_type = #tpu.core_type<tc>, window_params = [{transform_indices = @transform_0, window_bounds = array<i64: 256, 4096>}, {transform_indices = @transform_1, window_bounds = array<i64: 1, 1, 256>}, {pipeline_mode = #tpu.pipeline_mode<synchronous>, transform_indices = @transform_2, window_bounds = array<i64: 4, 8, 4096>}, {transform_indices = @transform_3, window_bounds = array<i64: 256, 4096>}, {transform_indices = @transform_4, window_bounds = array<i64: 1, 1, 256>}]} {
    %get3A = arith.constant 0 : index
    %get3A_0 = arith.constant 0 : index
    %get3A_1 = arith.constant 0 : index
    %get3A_2 = vector.load %arg3[%get3A, %get3A_0, %get3A_1] : memref<4x8x4096xf32, #tpu.memory_space<vmem>>, vector<4x8x4096xf32>
    %slice3A = vector.extract_strided_slice %get3A_2 {offsets = [0, 0, 0], sizes = [1, 8, 4096], strides = [1, 1, 1]} : vector<4x8x4096xf32> to vector<1x8x4096xf32>
    %squeeze3A = vector.shape_cast %slice3A : vector<1x8x4096xf32> to vector<8x4096xf32>
    %slice3A_3 = vector.extract_strided_slice %squeeze3A {offsets = [0, 0], sizes = [4, 4096], strides = [1, 1]} : vector<8x4096xf32> to vector<4x4096xf32>
    %slice3A_4 = vector.extract_strided_slice %squeeze3A {offsets = [4, 0], sizes = [4, 4096], strides = [1, 1]} : vector<8x4096xf32> to vector<4x4096xf32>
    %add3A = arith.addf %slice3A_3, %slice3A_4 : vector<4x4096xf32>
    %slice3A_5 = vector.extract_strided_slice %add3A {offsets = [0, 0], sizes = [2, 4096], strides = [1, 1]} : vector<4x4096xf32> to vector<2x4096xf32>
    %slice3A_6 = vector.extract_strided_slice %add3A {offsets = [2, 0], sizes = [2, 4096], strides = [1, 1]} : vector<4x4096xf32> to vector<2x4096xf32>
    %add3A_7 = arith.addf %slice3A_5, %slice3A_6 : vector<2x4096xf32>
    %slice3A_8 = vector.extract_strided_slice %add3A_7 {offsets = [0, 0], sizes = [1, 4096], strides = [1, 1]} : vector<2x4096xf32> to vector<1x4096xf32>
    %squeeze3A_9 = vector.shape_cast %slice3A_8 : vector<1x4096xf32> to vector<4096xf32>
    %slice3A_10 = vector.extract_strided_slice %add3A_7 {offsets = [1, 0], sizes = [1, 4096], strides = [1, 1]} : vector<2x4096xf32> to vector<1x4096xf32>
    %squeeze3A_11 = vector.shape_cast %slice3A_10 : vector<1x4096xf32> to vector<4096xf32>
    %add3A_12 = arith.addf %squeeze3A_9, %squeeze3A_11 : vector<4096xf32>
    %slice3A_13 = vector.extract_strided_slice %get3A_2 {offsets = [1, 0, 0], sizes = [1, 8, 4096], strides = [1, 1, 1]} : vector<4x8x4096xf32> to vector<1x8x4096xf32>
    %squeeze3A_14 = vector.shape_cast %slice3A_13 : vector<1x8x4096xf32> to vector<8x4096xf32>
    %slice3A_15 = vector.extract_strided_slice %squeeze3A_14 {offsets = [0, 0], sizes = [4, 4096], strides = [1, 1]} : vector<8x4096xf32> to vector<4x4096xf32>
    %slice3A_16 = vector.extract_strided_slice %squeeze3A_14 {offsets = [4, 0], sizes = [4, 4096], strides = [1, 1]} : vector<8x4096xf32> to vector<4x4096xf32>
    %add3A_17 = arith.addf %slice3A_15, %slice3A_16 : vector<4x4096xf32>
    %slice3A_18 = vector.extract_strided_slice %add3A_17 {offsets = [0, 0], sizes = [2, 4096], strides = [1, 1]} : vector<4x4096xf32> to vector<2x4096xf32>
    %slice3A_19 = vector.extract_strided_slice %add3A_17 {offsets = [2, 0], sizes = [2, 4096], strides = [1, 1]} : vector<4x4096xf32> to vector<2x4096xf32>
    %add3A_20 = arith.addf %slice3A_18, %slice3A_19 : vector<2x4096xf32>
    %slice3A_21 = vector.extract_strided_slice %add3A_20 {offsets = [0, 0], sizes = [1, 4096], strides = [1, 1]} : vector<2x4096xf32> to vector<1x4096xf32>
    %squeeze3A_22 = vector.shape_cast %slice3A_21 : vector<1x4096xf32> to vector<4096xf32>
    %slice3A_23 = vector.extract_strided_slice %add3A_20 {offsets = [1, 0], sizes = [1, 4096], strides = [1, 1]} : vector<2x4096xf32> to vector<1x4096xf32>
    %squeeze3A_24 = vector.shape_cast %slice3A_23 : vector<1x4096xf32> to vector<4096xf32>
    %add3A_25 = arith.addf %squeeze3A_22, %squeeze3A_24 : vector<4096xf32>
    %slice3A_26 = vector.extract_strided_slice %get3A_2 {offsets = [2, 0, 0], sizes = [1, 8, 4096], strides = [1, 1, 1]} : vector<4x8x4096xf32> to vector<1x8x4096xf32>
    %squeeze3A_27 = vector.shape_cast %slice3A_26 : vector<1x8x4096xf32> to vector<8x4096xf32>
    %slice3A_28 = vector.extract_strided_slice %squeeze3A_27 {offsets = [0, 0], sizes = [4, 4096], strides = [1, 1]} : vector<8x4096xf32> to vector<4x4096xf32>
    %slice3A_29 = vector.extract_strided_slice %squeeze3A_27 {offsets = [4, 0], sizes = [4, 4096], strides = [1, 1]} : vector<8x4096xf32> to vector<4x4096xf32>
    %add3A_30 = arith.addf %slice3A_28, %slice3A_29 : vector<4x4096xf32>
    %slice3A_31 = vector.extract_strided_slice %add3A_30 {offsets = [0, 0], sizes = [2, 4096], strides = [1, 1]} : vector<4x4096xf32> to vector<2x4096xf32>
    %slice3A_32 = vector.extract_strided_slice %add3A_30 {offsets = [2, 0], sizes = [2, 4096], strides = [1, 1]} : vector<4x4096xf32> to vector<2x4096xf32>
    %add3A_33 = arith.addf %slice3A_31, %slice3A_32 : vector<2x4096xf32>
    %slice3A_34 = vector.extract_strided_slice %add3A_33 {offsets = [0, 0], sizes = [1, 4096], strides = [1, 1]} : vector<2x4096xf32> to vector<1x4096xf32>
    %squeeze3A_35 = vector.shape_cast %slice3A_34 : vector<1x4096xf32> to vector<4096xf32>
    %slice3A_36 = vector.extract_strided_slice %add3A_33 {offsets = [1, 0], sizes = [1, 4096], strides = [1, 1]} : vector<2x4096xf32> to vector<1x4096xf32>
    %squeeze3A_37 = vector.shape_cast %slice3A_36 : vector<1x4096xf32> to vector<4096xf32>
    %add3A_38 = arith.addf %squeeze3A_35, %squeeze3A_37 : vector<4096xf32>
    %slice3A_39 = vector.extract_strided_slice %get3A_2 {offsets = [3, 0, 0], sizes = [1, 8, 4096], strides = [1, 1, 1]} : vector<4x8x4096xf32> to vector<1x8x4096xf32>
    %squeeze3A_40 = vector.shape_cast %slice3A_39 : vector<1x8x4096xf32> to vector<8x4096xf32>
    %slice3A_41 = vector.extract_strided_slice %squeeze3A_40 {offsets = [0, 0], sizes = [4, 4096], strides = [1, 1]} : vector<8x4096xf32> to vector<4x4096xf32>
    %slice3A_42 = vector.extract_strided_slice %squeeze3A_40 {offsets = [4, 0], sizes = [4, 4096], strides = [1, 1]} : vector<8x4096xf32> to vector<4x4096xf32>
    %add3A_43 = arith.addf %slice3A_41, %slice3A_42 : vector<4x4096xf32>
    %slice3A_44 = vector.extract_strided_slice %add3A_43 {offsets = [0, 0], sizes = [2, 4096], strides = [1, 1]} : vector<4x4096xf32> to vector<2x4096xf32>
    %slice3A_45 = vector.extract_strided_slice %add3A_43 {offsets = [2, 0], sizes = [2, 4096], strides = [1, 1]} : vector<4x4096xf32> to vector<2x4096xf32>
    %add3A_46 = arith.addf %slice3A_44, %slice3A_45 : vector<2x4096xf32>
    %slice3A_47 = vector.extract_strided_slice %add3A_46 {offsets = [0, 0], sizes = [1, 4096], strides = [1, 1]} : vector<2x4096xf32> to vector<1x4096xf32>
    %squeeze3A_48 = vector.shape_cast %slice3A_47 : vector<1x4096xf32> to vector<4096xf32>
    %slice3A_49 = vector.extract_strided_slice %add3A_46 {offsets = [1, 0], sizes = [1, 4096], strides = [1, 1]} : vector<2x4096xf32> to vector<1x4096xf32>
    %squeeze3A_50 = vector.shape_cast %slice3A_49 : vector<1x4096xf32> to vector<4096xf32>
    %add3A_51 = arith.addf %squeeze3A_48, %squeeze3A_50 : vector<4096xf32>
    %add3A_52 = arith.addf %add3A_12, %add3A_25 : vector<4096xf32>
    %add3A_53 = arith.addf %add3A_52, %add3A_38 : vector<4096xf32>
    %add3A_54 = arith.addf %add3A_53, %add3A_51 : vector<4096xf32>
    %get3A_55 = arith.constant 0 : index
    %get3A_56 = arith.constant 0 : index
    %get3A_57 = vector.load %arg1[%get3A_55, %get3A_56] : memref<256x4096xf32, #tpu.memory_space<vmem>>, vector<256x4096xf32>
    %get3A_58 = arith.constant 0 : index
    %get3A_59 = arith.constant 0 : index
    %get3A_60 = arith.constant 0 : index
    %get3A_61 = vector.load %arg2[%get3A_58, %get3A_59, %get3A_60] : memref<1x1x256xf32, #tpu.memory_space<vmem>>, vector<1x1x256xf32>
    %reshape3A = vector.shape_cast %get3A_61 : vector<1x1x256xf32> to vector<256x1xf32>
    %div3A = vector.broadcast %reshape3A : vector<256x1xf32> to vector<256x4096xf32>
    %div3A_62 = arith.divf %get3A_57, %div3A : vector<256x4096xf32>
    %reshape3A_63 = vector.shape_cast %add3A_54 : vector<4096xf32> to vector<1x4096xf32>
    %div3A_64 = vector.broadcast %reshape3A_63 : vector<1x4096xf32> to vector<256x4096xf32>
    %div3A_65 = arith.divf %get3A_57, %div3A_64 : vector<256x4096xf32>
    %mul3A = arith.mulf %div3A_62, %div3A_65 : vector<256x4096xf32>
    %swap3A = arith.constant 0 : index
    %swap3A_66 = arith.constant 0 : index
    %swap3A_67 = vector.load %arg4[%swap3A, %swap3A_66] : memref<256x4096xf32, #tpu.memory_space<vmem>>, vector<256x4096xf32>
    tpu.vector_store %arg4[%swap3A, %swap3A_66], %mul3A {strides = array<i32>} : memref<256x4096xf32, #tpu.memory_space<vmem>>, vector<256x4096xf32>,
    %reduce_max3A = arith.constant dense<0xFF800000> : vector<256xf32>
    %reduce_max3A_68 = vector.multi_reduction <maximumf>, %mul3A, %reduce_max3A [1] : vector<256x4096xf32> to vector<256xf32>
    %reshape3A_69 = vector.shape_cast %reduce_max3A_68 : vector<256xf32> to vector<1x1x256xf32>
    %swap3A_70 = arith.constant 0 : index
    %swap3A_71 = arith.constant 0 : index
    %swap3A_72 = arith.constant 0 : index
    %swap3A_73 = vector.load %arg5[%swap3A_70, %swap3A_71, %swap3A_72] : memref<1x1x256xf32, #tpu.memory_space<vmem>>, vector<1x1x256xf32>
    tpu.vector_store %arg5[%swap3A_70, %swap3A_71, %swap3A_72], %reshape3A_69 {strides = array<i32>} : memref<1x1x256xf32, #tpu.memory_space<vmem>>, vector<1x1x256xf32>,
    return
  }
  func.func @transform_0(%arg0: i32) -> (i32, i32) {
    %c0_i32 = arith.constant 0 : i32
    %c0_i32_0 = arith.constant 0 : i32
    return %arg0, %c0_i32 : i32, i32
  }
  func.func @transform_1(%arg0: i32) -> (i32, i32, i32) {
    %c0_i32 = arith.constant 0 : i32
    %c0_i32_0 = arith.constant 0 : i32
    %c0_i32_1 = arith.constant 0 : i32
    return %arg0, %c0_i32, %c0_i32_0 : i32, i32, i32
  }
  func.func @transform_2(%arg0: i32) -> (i32, i32, i32) {
    %c0_i32 = arith.constant 0 : i32
    %c0_i32_0 = arith.constant 0 : i32
    %c0_i32_1 = arith.constant 0 : i32
    %c0_i32_2 = arith.constant 0 : i32
    return %c0_i32, %c0_i32_0, %c0_i32_1 : i32, i32, i32
  }
  func.func @transform_3(%arg0: i32) -> (i32, i32) {
    %c0_i32 = arith.constant 0 : i32
    %c0_i32_0 = arith.constant 0 : i32
    return %arg0, %c0_i32 : i32, i32
  }
  func.func @transform_4(%arg0: i32) -> (i32, i32, i32) {
    %c0_i32 = arith.constant 0 : i32
    %c0_i32_0 = arith.constant 0 : i32
    %c0_i32_1 = arith.constant 0 : i32
    return %arg0, %c0_i32, %c0_i32_0 : i32, i32, i32
  }
}

module attributes {stable_mosaic.version = 14 : i64} {
  func.func @_scores_body(%arg0: i32, %arg1: memref<256x256xf32, #tpu.memory_space<vmem>>, %arg2: memref<4096x256xf32, #tpu.memory_space<vmem>>, %arg3: memref<256x4096xf32, #tpu.memory_space<vmem>>, %arg4: memref<1x1x256xf32, #tpu.memory_space<vmem>>, %arg5: memref<1x8x4096xf32, #tpu.memory_space<vmem>>) attributes {dimension_semantics = [#tpu.dimension_semantics<arbitrary>], iteration_bounds = array<i64: 16>, scalar_prefetch = 0 : i64, scratch_operands = 0 : i64, tpu.core_type = #tpu.core_type<tc>, window_params = [{transform_indices = @transform_0, window_bounds = array<i64: 256, 256>}, {pipeline_mode = #tpu.pipeline_mode<synchronous>, transform_indices = @transform_1, window_bounds = array<i64: 4096, 256>}, {transform_indices = @transform_2, window_bounds = array<i64: 256, 4096>}, {transform_indices = @transform_3, window_bounds = array<i64: 1, 1, 256>}, {transform_indices = @transform_4, window_bounds = array<i64: 1, 8, 4096>}]} {
    %get3A = arith.constant 0 : index
    %get3A_0 = arith.constant 0 : index
    %get3A_1 = vector.load %arg1[%get3A, %get3A_0] : memref<256x256xf32, #tpu.memory_space<vmem>>, vector<256x256xf32>
    %get3A_2 = arith.constant 0 : index
    %get3A_3 = arith.constant 0 : index
    %get3A_4 = vector.load %arg2[%get3A_2, %get3A_3] : memref<4096x256xf32, #tpu.memory_space<vmem>>, vector<4096x256xf32>
    %dot_general3A = arith.constant dense<0.000000e+00> : vector<256x4096xf32>
    %dot_general3A_5 = tpu.matmul %get3A_1, %get3A_4, %dot_general3A {dimension_numbers = #tpu.dot_dimension_numbers<[1], [1], [0], [0], [0, 0, 1, 0], [], []>, transpose_lhs_hint = false} : vector<256x256xf32>, vector<4096x256xf32>, vector<256x4096xf32> -> vector<256x4096xf32>
    %mul3A = arith.constant 2.000000e+00 : f32
    %mul3A_6 = vector.broadcast %mul3A : f32 to vector<256x4096xf32>
    %mul3A_7 = arith.mulf %mul3A_6, %dot_general3A_5 : vector<256x4096xf32>
    %sub3A = arith.constant 2.000000e+00 : f32
    %sub3A_8 = vector.broadcast %sub3A : f32 to vector<256x4096xf32>
    %sub3A_9 = arith.subf %sub3A_8, %mul3A_7 : vector<256x4096xf32>
    %neg3A = arith.constant 0.000000e+00 : f32
    %neg3A_10 = vector.broadcast %neg3A : f32 to vector<256x4096xf32>
    %neg3A_11 = arith.subf %neg3A_10, %sub3A_9 : vector<256x4096xf32>
    %exp3A = math.exp %neg3A_11 : vector<256x4096xf32>
    %swap3A = arith.constant 0 : index
    %swap3A_12 = arith.constant 0 : index
    %swap3A_13 = vector.load %arg3[%swap3A, %swap3A_12] : memref<256x4096xf32, #tpu.memory_space<vmem>>, vector<256x4096xf32>
    tpu.vector_store %arg3[%swap3A, %swap3A_12], %exp3A {strides = array<i32>} : memref<256x4096xf32, #tpu.memory_space<vmem>>, vector<256x4096xf32>,
    %reshape3A = vector.shape_cast %exp3A : vector<256x4096xf32> to vector<256x32x128xf32>
    %slice3A = vector.extract_strided_slice %reshape3A {offsets = [0, 0, 0], sizes = [256, 1, 128], strides = [1, 1, 1]} : vector<256x32x128xf32> to vector<256x1x128xf32>
    %squeeze3A = vector.shape_cast %slice3A : vector<256x1x128xf32> to vector<256x128xf32>
    %slice3A_14 = vector.extract_strided_slice %reshape3A {offsets = [0, 1, 0], sizes = [256, 1, 128], strides = [1, 1, 1]} : vector<256x32x128xf32> to vector<256x1x128xf32>
    %squeeze3A_15 = vector.shape_cast %slice3A_14 : vector<256x1x128xf32> to vector<256x128xf32>
    %add3A = arith.addf %squeeze3A, %squeeze3A_15 : vector<256x128xf32>
    %slice3A_16 = vector.extract_strided_slice %reshape3A {offsets = [0, 2, 0], sizes = [256, 1, 128], strides = [1, 1, 1]} : vector<256x32x128xf32> to vector<256x1x128xf32>
    %squeeze3A_17 = vector.shape_cast %slice3A_16 : vector<256x1x128xf32> to vector<256x128xf32>
    %add3A_18 = arith.addf %add3A, %squeeze3A_17 : vector<256x128xf32>
    %slice3A_19 = vector.extract_strided_slice %reshape3A {offsets = [0, 3, 0], sizes = [256, 1, 128], strides = [1, 1, 1]} : vector<256x32x128xf32> to vector<256x1x128xf32>
    %squeeze3A_20 = vector.shape_cast %slice3A_19 : vector<256x1x128xf32> to vector<256x128xf32>
    %add3A_21 = arith.addf %add3A_18, %squeeze3A_20 : vector<256x128xf32>
    %slice3A_22 = vector.extract_strided_slice %reshape3A {offsets = [0, 4, 0], sizes = [256, 1, 128], strides = [1, 1, 1]} : vector<256x32x128xf32> to vector<256x1x128xf32>
    %squeeze3A_23 = vector.shape_cast %slice3A_22 : vector<256x1x128xf32> to vector<256x128xf32>
    %add3A_24 = arith.addf %add3A_21, %squeeze3A_23 : vector<256x128xf32>
    %slice3A_25 = vector.extract_strided_slice %reshape3A {offsets = [0, 5, 0], sizes = [256, 1, 128], strides = [1, 1, 1]} : vector<256x32x128xf32> to vector<256x1x128xf32>
    %squeeze3A_26 = vector.shape_cast %slice3A_25 : vector<256x1x128xf32> to vector<256x128xf32>
    %add3A_27 = arith.addf %add3A_24, %squeeze3A_26 : vector<256x128xf32>
    %slice3A_28 = vector.extract_strided_slice %reshape3A {offsets = [0, 6, 0], sizes = [256, 1, 128], strides = [1, 1, 1]} : vector<256x32x128xf32> to vector<256x1x128xf32>
    %squeeze3A_29 = vector.shape_cast %slice3A_28 : vector<256x1x128xf32> to vector<256x128xf32>
    %add3A_30 = arith.addf %add3A_27, %squeeze3A_29 : vector<256x128xf32>
    %slice3A_31 = vector.extract_strided_slice %reshape3A {offsets = [0, 7, 0], sizes = [256, 1, 128], strides = [1, 1, 1]} : vector<256x32x128xf32> to vector<256x1x128xf32>
    %squeeze3A_32 = vector.shape_cast %slice3A_31 : vector<256x1x128xf32> to vector<256x128xf32>
    %add3A_33 = arith.addf %add3A_30, %squeeze3A_32 : vector<256x128xf32>
    %slice3A_34 = vector.extract_strided_slice %reshape3A {offsets = [0, 8, 0], sizes = [256, 1, 128], strides = [1, 1, 1]} : vector<256x32x128xf32> to vector<256x1x128xf32>
    %squeeze3A_35 = vector.shape_cast %slice3A_34 : vector<256x1x128xf32> to vector<256x128xf32>
    %add3A_36 = arith.addf %add3A_33, %squeeze3A_35 : vector<256x128xf32>
    %slice3A_37 = vector.extract_strided_slice %reshape3A {offsets = [0, 9, 0], sizes = [256, 1, 128], strides = [1, 1, 1]} : vector<256x32x128xf32> to vector<256x1x128xf32>
    %squeeze3A_38 = vector.shape_cast %slice3A_37 : vector<256x1x128xf32> to vector<256x128xf32>
    %add3A_39 = arith.addf %add3A_36, %squeeze3A_38 : vector<256x128xf32>
    %slice3A_40 = vector.extract_strided_slice %reshape3A {offsets = [0, 10, 0], sizes = [256, 1, 128], strides = [1, 1, 1]} : vector<256x32x128xf32> to vector<256x1x128xf32>
    %squeeze3A_41 = vector.shape_cast %slice3A_40 : vector<256x1x128xf32> to vector<256x128xf32>
    %add3A_42 = arith.addf %add3A_39, %squeeze3A_41 : vector<256x128xf32>
    %slice3A_43 = vector.extract_strided_slice %reshape3A {offsets = [0, 11, 0], sizes = [256, 1, 128], strides = [1, 1, 1]} : vector<256x32x128xf32> to vector<256x1x128xf32>
    %squeeze3A_44 = vector.shape_cast %slice3A_43 : vector<256x1x128xf32> to vector<256x128xf32>
    %add3A_45 = arith.addf %add3A_42, %squeeze3A_44 : vector<256x128xf32>
    %slice3A_46 = vector.extract_strided_slice %reshape3A {offsets = [0, 12, 0], sizes = [256, 1, 128], strides = [1, 1, 1]} : vector<256x32x128xf32> to vector<256x1x128xf32>
    %squeeze3A_47 = vector.shape_cast %slice3A_46 : vector<256x1x128xf32> to vector<256x128xf32>
    %add3A_48 = arith.addf %add3A_45, %squeeze3A_47 : vector<256x128xf32>
    %slice3A_49 = vector.extract_strided_slice %reshape3A {offsets = [0, 13, 0], sizes = [256, 1, 128], strides = [1, 1, 1]} : vector<256x32x128xf32> to vector<256x1x128xf32>
    %squeeze3A_50 = vector.shape_cast %slice3A_49 : vector<256x1x128xf32> to vector<256x128xf32>
    %add3A_51 = arith.addf %add3A_48, %squeeze3A_50 : vector<256x128xf32>
    %slice3A_52 = vector.extract_strided_slice %reshape3A {offsets = [0, 14, 0], sizes = [256, 1, 128], strides = [1, 1, 1]} : vector<256x32x128xf32> to vector<256x1x128xf32>
    %squeeze3A_53 = vector.shape_cast %slice3A_52 : vector<256x1x128xf32> to vector<256x128xf32>
    %add3A_54 = arith.addf %add3A_51, %squeeze3A_53 : vector<256x128xf32>
    %slice3A_55 = vector.extract_strided_slice %reshape3A {offsets = [0, 15, 0], sizes = [256, 1, 128], strides = [1, 1, 1]} : vector<256x32x128xf32> to vector<256x1x128xf32>
    %squeeze3A_56 = vector.shape_cast %slice3A_55 : vector<256x1x128xf32> to vector<256x128xf32>
    %add3A_57 = arith.addf %add3A_54, %squeeze3A_56 : vector<256x128xf32>
    %slice3A_58 = vector.extract_strided_slice %reshape3A {offsets = [0, 16, 0], sizes = [256, 1, 128], strides = [1, 1, 1]} : vector<256x32x128xf32> to vector<256x1x128xf32>
    %squeeze3A_59 = vector.shape_cast %slice3A_58 : vector<256x1x128xf32> to vector<256x128xf32>
    %add3A_60 = arith.addf %add3A_57, %squeeze3A_59 : vector<256x128xf32>
    %slice3A_61 = vector.extract_strided_slice %reshape3A {offsets = [0, 17, 0], sizes = [256, 1, 128], strides = [1, 1, 1]} : vector<256x32x128xf32> to vector<256x1x128xf32>
    %squeeze3A_62 = vector.shape_cast %slice3A_61 : vector<256x1x128xf32> to vector<256x128xf32>
    %add3A_63 = arith.addf %add3A_60, %squeeze3A_62 : vector<256x128xf32>
    %slice3A_64 = vector.extract_strided_slice %reshape3A {offsets = [0, 18, 0], sizes = [256, 1, 128], strides = [1, 1, 1]} : vector<256x32x128xf32> to vector<256x1x128xf32>
    %squeeze3A_65 = vector.shape_cast %slice3A_64 : vector<256x1x128xf32> to vector<256x128xf32>
    %add3A_66 = arith.addf %add3A_63, %squeeze3A_65 : vector<256x128xf32>
    %slice3A_67 = vector.extract_strided_slice %reshape3A {offsets = [0, 19, 0], sizes = [256, 1, 128], strides = [1, 1, 1]} : vector<256x32x128xf32> to vector<256x1x128xf32>
    %squeeze3A_68 = vector.shape_cast %slice3A_67 : vector<256x1x128xf32> to vector<256x128xf32>
    %add3A_69 = arith.addf %add3A_66, %squeeze3A_68 : vector<256x128xf32>
    %slice3A_70 = vector.extract_strided_slice %reshape3A {offsets = [0, 20, 0], sizes = [256, 1, 128], strides = [1, 1, 1]} : vector<256x32x128xf32> to vector<256x1x128xf32>
    %squeeze3A_71 = vector.shape_cast %slice3A_70 : vector<256x1x128xf32> to vector<256x128xf32>
    %add3A_72 = arith.addf %add3A_69, %squeeze3A_71 : vector<256x128xf32>
    %slice3A_73 = vector.extract_strided_slice %reshape3A {offsets = [0, 21, 0], sizes = [256, 1, 128], strides = [1, 1, 1]} : vector<256x32x128xf32> to vector<256x1x128xf32>
    %squeeze3A_74 = vector.shape_cast %slice3A_73 : vector<256x1x128xf32> to vector<256x128xf32>
    %add3A_75 = arith.addf %add3A_72, %squeeze3A_74 : vector<256x128xf32>
    %slice3A_76 = vector.extract_strided_slice %reshape3A {offsets = [0, 22, 0], sizes = [256, 1, 128], strides = [1, 1, 1]} : vector<256x32x128xf32> to vector<256x1x128xf32>
    %squeeze3A_77 = vector.shape_cast %slice3A_76 : vector<256x1x128xf32> to vector<256x128xf32>
    %add3A_78 = arith.addf %add3A_75, %squeeze3A_77 : vector<256x128xf32>
    %slice3A_79 = vector.extract_strided_slice %reshape3A {offsets = [0, 23, 0], sizes = [256, 1, 128], strides = [1, 1, 1]} : vector<256x32x128xf32> to vector<256x1x128xf32>
    %squeeze3A_80 = vector.shape_cast %slice3A_79 : vector<256x1x128xf32> to vector<256x128xf32>
    %add3A_81 = arith.addf %add3A_78, %squeeze3A_80 : vector<256x128xf32>
    %slice3A_82 = vector.extract_strided_slice %reshape3A {offsets = [0, 24, 0], sizes = [256, 1, 128], strides = [1, 1, 1]} : vector<256x32x128xf32> to vector<256x1x128xf32>
    %squeeze3A_83 = vector.shape_cast %slice3A_82 : vector<256x1x128xf32> to vector<256x128xf32>
    %add3A_84 = arith.addf %add3A_81, %squeeze3A_83 : vector<256x128xf32>
    %slice3A_85 = vector.extract_strided_slice %reshape3A {offsets = [0, 25, 0], sizes = [256, 1, 128], strides = [1, 1, 1]} : vector<256x32x128xf32> to vector<256x1x128xf32>
    %squeeze3A_86 = vector.shape_cast %slice3A_85 : vector<256x1x128xf32> to vector<256x128xf32>
    %add3A_87 = arith.addf %add3A_84, %squeeze3A_86 : vector<256x128xf32>
    %slice3A_88 = vector.extract_strided_slice %reshape3A {offsets = [0, 26, 0], sizes = [256, 1, 128], strides = [1, 1, 1]} : vector<256x32x128xf32> to vector<256x1x128xf32>
    %squeeze3A_89 = vector.shape_cast %slice3A_88 : vector<256x1x128xf32> to vector<256x128xf32>
    %add3A_90 = arith.addf %add3A_87, %squeeze3A_89 : vector<256x128xf32>
    %slice3A_91 = vector.extract_strided_slice %reshape3A {offsets = [0, 27, 0], sizes = [256, 1, 128], strides = [1, 1, 1]} : vector<256x32x128xf32> to vector<256x1x128xf32>
    %squeeze3A_92 = vector.shape_cast %slice3A_91 : vector<256x1x128xf32> to vector<256x128xf32>
    %add3A_93 = arith.addf %add3A_90, %squeeze3A_92 : vector<256x128xf32>
    %slice3A_94 = vector.extract_strided_slice %reshape3A {offsets = [0, 28, 0], sizes = [256, 1, 128], strides = [1, 1, 1]} : vector<256x32x128xf32> to vector<256x1x128xf32>
    %squeeze3A_95 = vector.shape_cast %slice3A_94 : vector<256x1x128xf32> to vector<256x128xf32>
    %add3A_96 = arith.addf %add3A_93, %squeeze3A_95 : vector<256x128xf32>
    %slice3A_97 = vector.extract_strided_slice %reshape3A {offsets = [0, 29, 0], sizes = [256, 1, 128], strides = [1, 1, 1]} : vector<256x32x128xf32> to vector<256x1x128xf32>
    %squeeze3A_98 = vector.shape_cast %slice3A_97 : vector<256x1x128xf32> to vector<256x128xf32>
    %add3A_99 = arith.addf %add3A_96, %squeeze3A_98 : vector<256x128xf32>
    %slice3A_100 = vector.extract_strided_slice %reshape3A {offsets = [0, 30, 0], sizes = [256, 1, 128], strides = [1, 1, 1]} : vector<256x32x128xf32> to vector<256x1x128xf32>
    %squeeze3A_101 = vector.shape_cast %slice3A_100 : vector<256x1x128xf32> to vector<256x128xf32>
    %add3A_102 = arith.addf %add3A_99, %squeeze3A_101 : vector<256x128xf32>
    %slice3A_103 = vector.extract_strided_slice %reshape3A {offsets = [0, 31, 0], sizes = [256, 1, 128], strides = [1, 1, 1]} : vector<256x32x128xf32> to vector<256x1x128xf32>
    %squeeze3A_104 = vector.shape_cast %slice3A_103 : vector<256x1x128xf32> to vector<256x128xf32>
    %add3A_105 = arith.addf %add3A_102, %squeeze3A_104 : vector<256x128xf32>
    %reshape3A_106 = vector.shape_cast %add3A_105 : vector<256x128xf32> to vector<256x16x8xf32>
    %slice3A_107 = vector.extract_strided_slice %reshape3A_106 {offsets = [0, 0, 0], sizes = [256, 1, 8], strides = [1, 1, 1]} : vector<256x16x8xf32> to vector<256x1x8xf32>
    %squeeze3A_108 = vector.shape_cast %slice3A_107 : vector<256x1x8xf32> to vector<256x8xf32>
    %slice3A_109 = vector.extract_strided_slice %reshape3A_106 {offsets = [0, 1, 0], sizes = [256, 1, 8], strides = [1, 1, 1]} : vector<256x16x8xf32> to vector<256x1x8xf32>
    %squeeze3A_110 = vector.shape_cast %slice3A_109 : vector<256x1x8xf32> to vector<256x8xf32>
    %add3A_111 = arith.addf %squeeze3A_108, %squeeze3A_110 : vector<256x8xf32>
    %slice3A_112 = vector.extract_strided_slice %reshape3A_106 {offsets = [0, 2, 0], sizes = [256, 1, 8], strides = [1, 1, 1]} : vector<256x16x8xf32> to vector<256x1x8xf32>
    %squeeze3A_113 = vector.shape_cast %slice3A_112 : vector<256x1x8xf32> to vector<256x8xf32>
    %add3A_114 = arith.addf %add3A_111, %squeeze3A_113 : vector<256x8xf32>
    %slice3A_115 = vector.extract_strided_slice %reshape3A_106 {offsets = [0, 3, 0], sizes = [256, 1, 8], strides = [1, 1, 1]} : vector<256x16x8xf32> to vector<256x1x8xf32>
    %squeeze3A_116 = vector.shape_cast %slice3A_115 : vector<256x1x8xf32> to vector<256x8xf32>
    %add3A_117 = arith.addf %add3A_114, %squeeze3A_116 : vector<256x8xf32>
    %slice3A_118 = vector.extract_strided_slice %reshape3A_106 {offsets = [0, 4, 0], sizes = [256, 1, 8], strides = [1, 1, 1]} : vector<256x16x8xf32> to vector<256x1x8xf32>
    %squeeze3A_119 = vector.shape_cast %slice3A_118 : vector<256x1x8xf32> to vector<256x8xf32>
    %add3A_120 = arith.addf %add3A_117, %squeeze3A_119 : vector<256x8xf32>
    %slice3A_121 = vector.extract_strided_slice %reshape3A_106 {offsets = [0, 5, 0], sizes = [256, 1, 8], strides = [1, 1, 1]} : vector<256x16x8xf32> to vector<256x1x8xf32>
    %squeeze3A_122 = vector.shape_cast %slice3A_121 : vector<256x1x8xf32> to vector<256x8xf32>
    %add3A_123 = arith.addf %add3A_120, %squeeze3A_122 : vector<256x8xf32>
    %slice3A_124 = vector.extract_strided_slice %reshape3A_106 {offsets = [0, 6, 0], sizes = [256, 1, 8], strides = [1, 1, 1]} : vector<256x16x8xf32> to vector<256x1x8xf32>
    %squeeze3A_125 = vector.shape_cast %slice3A_124 : vector<256x1x8xf32> to vector<256x8xf32>
    %add3A_126 = arith.addf %add3A_123, %squeeze3A_125 : vector<256x8xf32>
    %slice3A_127 = vector.extract_strided_slice %reshape3A_106 {offsets = [0, 7, 0], sizes = [256, 1, 8], strides = [1, 1, 1]} : vector<256x16x8xf32> to vector<256x1x8xf32>
    %squeeze3A_128 = vector.shape_cast %slice3A_127 : vector<256x1x8xf32> to vector<256x8xf32>
    %add3A_129 = arith.addf %add3A_126, %squeeze3A_128 : vector<256x8xf32>
    %slice3A_130 = vector.extract_strided_slice %reshape3A_106 {offsets = [0, 8, 0], sizes = [256, 1, 8], strides = [1, 1, 1]} : vector<256x16x8xf32> to vector<256x1x8xf32>
    %squeeze3A_131 = vector.shape_cast %slice3A_130 : vector<256x1x8xf32> to vector<256x8xf32>
    %add3A_132 = arith.addf %add3A_129, %squeeze3A_131 : vector<256x8xf32>
    %slice3A_133 = vector.extract_strided_slice %reshape3A_106 {offsets = [0, 9, 0], sizes = [256, 1, 8], strides = [1, 1, 1]} : vector<256x16x8xf32> to vector<256x1x8xf32>
    %squeeze3A_134 = vector.shape_cast %slice3A_133 : vector<256x1x8xf32> to vector<256x8xf32>
    %add3A_135 = arith.addf %add3A_132, %squeeze3A_134 : vector<256x8xf32>
    %slice3A_136 = vector.extract_strided_slice %reshape3A_106 {offsets = [0, 10, 0], sizes = [256, 1, 8], strides = [1, 1, 1]} : vector<256x16x8xf32> to vector<256x1x8xf32>
    %squeeze3A_137 = vector.shape_cast %slice3A_136 : vector<256x1x8xf32> to vector<256x8xf32>
    %add3A_138 = arith.addf %add3A_135, %squeeze3A_137 : vector<256x8xf32>
    %slice3A_139 = vector.extract_strided_slice %reshape3A_106 {offsets = [0, 11, 0], sizes = [256, 1, 8], strides = [1, 1, 1]} : vector<256x16x8xf32> to vector<256x1x8xf32>
    %squeeze3A_140 = vector.shape_cast %slice3A_139 : vector<256x1x8xf32> to vector<256x8xf32>
    %add3A_141 = arith.addf %add3A_138, %squeeze3A_140 : vector<256x8xf32>
    %slice3A_142 = vector.extract_strided_slice %reshape3A_106 {offsets = [0, 12, 0], sizes = [256, 1, 8], strides = [1, 1, 1]} : vector<256x16x8xf32> to vector<256x1x8xf32>
    %squeeze3A_143 = vector.shape_cast %slice3A_142 : vector<256x1x8xf32> to vector<256x8xf32>
    %add3A_144 = arith.addf %add3A_141, %squeeze3A_143 : vector<256x8xf32>
    %slice3A_145 = vector.extract_strided_slice %reshape3A_106 {offsets = [0, 13, 0], sizes = [256, 1, 8], strides = [1, 1, 1]} : vector<256x16x8xf32> to vector<256x1x8xf32>
    %squeeze3A_146 = vector.shape_cast %slice3A_145 : vector<256x1x8xf32> to vector<256x8xf32>
    %add3A_147 = arith.addf %add3A_144, %squeeze3A_146 : vector<256x8xf32>
    %slice3A_148 = vector.extract_strided_slice %reshape3A_106 {offsets = [0, 14, 0], sizes = [256, 1, 8], strides = [1, 1, 1]} : vector<256x16x8xf32> to vector<256x1x8xf32>
    %squeeze3A_149 = vector.shape_cast %slice3A_148 : vector<256x1x8xf32> to vector<256x8xf32>
    %add3A_150 = arith.addf %add3A_147, %squeeze3A_149 : vector<256x8xf32>
    %slice3A_151 = vector.extract_strided_slice %reshape3A_106 {offsets = [0, 15, 0], sizes = [256, 1, 8], strides = [1, 1, 1]} : vector<256x16x8xf32> to vector<256x1x8xf32>
    %squeeze3A_152 = vector.shape_cast %slice3A_151 : vector<256x1x8xf32> to vector<256x8xf32>
    %add3A_153 = arith.addf %add3A_150, %squeeze3A_152 : vector<256x8xf32>
    %slice3A_154 = vector.extract_strided_slice %add3A_153 {offsets = [0, 0], sizes = [256, 4], strides = [1, 1]} : vector<256x8xf32> to vector<256x4xf32>
    %slice3A_155 = vector.extract_strided_slice %add3A_153 {offsets = [0, 4], sizes = [256, 4], strides = [1, 1]} : vector<256x8xf32> to vector<256x4xf32>
    %add3A_156 = arith.addf %slice3A_154, %slice3A_155 : vector<256x4xf32>
    %slice3A_157 = vector.extract_strided_slice %add3A_156 {offsets = [0, 0], sizes = [256, 2], strides = [1, 1]} : vector<256x4xf32> to vector<256x2xf32>
    %slice3A_158 = vector.extract_strided_slice %add3A_156 {offsets = [0, 2], sizes = [256, 2], strides = [1, 1]} : vector<256x4xf32> to vector<256x2xf32>
    %add3A_159 = arith.addf %slice3A_157, %slice3A_158 : vector<256x2xf32>
    %slice3A_160 = vector.extract_strided_slice %add3A_159 {offsets = [0, 0], sizes = [256, 1], strides = [1, 1]} : vector<256x2xf32> to vector<256x1xf32>
    %squeeze3A_161 = vector.shape_cast %slice3A_160 : vector<256x1xf32> to vector<256xf32>
    %slice3A_162 = vector.extract_strided_slice %add3A_159 {offsets = [0, 1], sizes = [256, 1], strides = [1, 1]} : vector<256x2xf32> to vector<256x1xf32>
    %squeeze3A_163 = vector.shape_cast %slice3A_162 : vector<256x1xf32> to vector<256xf32>
    %add3A_164 = arith.addf %squeeze3A_161, %squeeze3A_163 : vector<256xf32>
    %reshape3A_165 = vector.shape_cast %add3A_164 : vector<256xf32> to vector<1x1x256xf32>
    %swap3A_166 = arith.constant 0 : index
    %swap3A_167 = arith.constant 0 : index
    %swap3A_168 = arith.constant 0 : index
    %swap3A_169 = vector.load %arg4[%swap3A_166, %swap3A_167, %swap3A_168] : memref<1x1x256xf32, #tpu.memory_space<vmem>>, vector<1x1x256xf32>
    tpu.vector_store %arg4[%swap3A_166, %swap3A_167, %swap3A_168], %reshape3A_165 {strides = array<i32>} : memref<1x1x256xf32, #tpu.memory_space<vmem>>, vector<1x1x256xf32>,
    %jit3A = arith.constant 4 : i32
    %eq3A = arith.constant 0 : i32
    %eq3A_170 = arith.cmpi eq, %jit3A, %eq3A : i32
    %jit3A_171 = arith.constant 1 : i32
    %select_n3A = arith.select %eq3A_170, %jit3A_171, %jit3A : i32
    %rem3A = arith.remsi %arg0, %select_n3A : i32
    %ne3A = arith.constant 0 : i32
    %ne3A_172 = arith.cmpi ne, %rem3A, %ne3A : i32
    %lt3A = arith.constant 0 : i32
    %lt3A_173 = arith.cmpi slt, %rem3A, %lt3A : i32
    %lt3A_174 = arith.constant 0 : i32
    %lt3A_175 = arith.cmpi slt, %select_n3A, %lt3A_174 : i32
    %ne3A_176 = arith.xori %lt3A_173, %lt3A_175 : i1
    %and3A = arith.andi %ne3A_176, %ne3A_172 : i1
    %add3A_177 = arith.addi %rem3A, %select_n3A : i32
    %select_n3A_178 = arith.select %and3A, %add3A_177, %rem3A : i32
    %eq3A_179 = arith.constant 0 : i32
    %eq3A_180 = arith.cmpi eq, %select_n3A_178, %eq3A_179 : i32
    %convert_element_type3A = arith.extui %eq3A_180 : i1 to i32
    %cond3A = arith.constant 0 : i32
    %cond3A_181 = arith.cmpi ne, %convert_element_type3A, %cond3A : i32
    scf.if %cond3A_181 {
      %broadcast_in_dim3A = arith.constant 0.000000e+00 : f32
      %broadcast_in_dim3A_256 = vector.broadcast %broadcast_in_dim3A : f32 to vector<1x8x4096xf32>
      %swap3A_257 = arith.constant 0 : index
      %swap3A_258 = arith.constant 0 : index
      %swap3A_259 = arith.constant 0 : index
      %swap3A_260 = vector.load %arg5[%swap3A_257, %swap3A_258, %swap3A_259] : memref<1x8x4096xf32, #tpu.memory_space<vmem>>, vector<1x8x4096xf32>
      tpu.vector_store %arg5[%swap3A_257, %swap3A_258, %swap3A_259], %broadcast_in_dim3A_256 {strides = array<i32>} : memref<1x8x4096xf32, #tpu.memory_space<vmem>>, vector<1x8x4096xf32>,
    } else {
    }
    %get3A_182 = arith.constant 0 : index
    %get3A_183 = arith.constant 0 : index
    %get3A_184 = arith.constant 0 : index
    %get3A_185 = vector.load %arg5[%get3A_182, %get3A_183, %get3A_184] : memref<1x8x4096xf32, #tpu.memory_space<vmem>>, vector<1x8x4096xf32>
    %reshape3A_186 = vector.shape_cast %get3A_185 : vector<1x8x4096xf32> to vector<8x4096xf32>
    %slice3A_187 = vector.extract_strided_slice %exp3A {offsets = [0, 0], sizes = [8, 4096], strides = [1, 1]} : vector<256x4096xf32> to vector<8x4096xf32>
    %add3A_188 = arith.addf %reshape3A_186, %slice3A_187 : vector<8x4096xf32>
    %slice3A_189 = vector.extract_strided_slice %exp3A {offsets = [8, 0], sizes = [8, 4096], strides = [1, 1]} : vector<256x4096xf32> to vector<8x4096xf32>
    %add3A_190 = arith.addf %add3A_188, %slice3A_189 : vector<8x4096xf32>
    %slice3A_191 = vector.extract_strided_slice %exp3A {offsets = [16, 0], sizes = [8, 4096], strides = [1, 1]} : vector<256x4096xf32> to vector<8x4096xf32>
    %add3A_192 = arith.addf %add3A_190, %slice3A_191 : vector<8x4096xf32>
    %slice3A_193 = vector.extract_strided_slice %exp3A {offsets = [24, 0], sizes = [8, 4096], strides = [1, 1]} : vector<256x4096xf32> to vector<8x4096xf32>
    %add3A_194 = arith.addf %add3A_192, %slice3A_193 : vector<8x4096xf32>
    %slice3A_195 = vector.extract_strided_slice %exp3A {offsets = [32, 0], sizes = [8, 4096], strides = [1, 1]} : vector<256x4096xf32> to vector<8x4096xf32>
    %add3A_196 = arith.addf %add3A_194, %slice3A_195 : vector<8x4096xf32>
    %slice3A_197 = vector.extract_strided_slice %exp3A {offsets = [40, 0], sizes = [8, 4096], strides = [1, 1]} : vector<256x4096xf32> to vector<8x4096xf32>
    %add3A_198 = arith.addf %add3A_196, %slice3A_197 : vector<8x4096xf32>
    %slice3A_199 = vector.extract_strided_slice %exp3A {offsets = [48, 0], sizes = [8, 4096], strides = [1, 1]} : vector<256x4096xf32> to vector<8x4096xf32>
    %add3A_200 = arith.addf %add3A_198, %slice3A_199 : vector<8x4096xf32>
    %slice3A_201 = vector.extract_strided_slice %exp3A {offsets = [56, 0], sizes = [8, 4096], strides = [1, 1]} : vector<256x4096xf32> to vector<8x4096xf32>
    %add3A_202 = arith.addf %add3A_200, %slice3A_201 : vector<8x4096xf32>
    %slice3A_203 = vector.extract_strided_slice %exp3A {offsets = [64, 0], sizes = [8, 4096], strides = [1, 1]} : vector<256x4096xf32> to vector<8x4096xf32>
    %add3A_204 = arith.addf %add3A_202, %slice3A_203 : vector<8x4096xf32>
    %slice3A_205 = vector.extract_strided_slice %exp3A {offsets = [72, 0], sizes = [8, 4096], strides = [1, 1]} : vector<256x4096xf32> to vector<8x4096xf32>
    %add3A_206 = arith.addf %add3A_204, %slice3A_205 : vector<8x4096xf32>
    %slice3A_207 = vector.extract_strided_slice %exp3A {offsets = [80, 0], sizes = [8, 4096], strides = [1, 1]} : vector<256x4096xf32> to vector<8x4096xf32>
    %add3A_208 = arith.addf %add3A_206, %slice3A_207 : vector<8x4096xf32>
    %slice3A_209 = vector.extract_strided_slice %exp3A {offsets = [88, 0], sizes = [8, 4096], strides = [1, 1]} : vector<256x4096xf32> to vector<8x4096xf32>
    %add3A_210 = arith.addf %add3A_208, %slice3A_209 : vector<8x4096xf32>
    %slice3A_211 = vector.extract_strided_slice %exp3A {offsets = [96, 0], sizes = [8, 4096], strides = [1, 1]} : vector<256x4096xf32> to vector<8x4096xf32>
    %add3A_212 = arith.addf %add3A_210, %slice3A_211 : vector<8x4096xf32>
    %slice3A_213 = vector.extract_strided_slice %exp3A {offsets = [104, 0], sizes = [8, 4096], strides = [1, 1]} : vector<256x4096xf32> to vector<8x4096xf32>
    %add3A_214 = arith.addf %add3A_212, %slice3A_213 : vector<8x4096xf32>
    %slice3A_215 = vector.extract_strided_slice %exp3A {offsets = [112, 0], sizes = [8, 4096], strides = [1, 1]} : vector<256x4096xf32> to vector<8x4096xf32>
    %add3A_216 = arith.addf %add3A_214, %slice3A_215 : vector<8x4096xf32>
    %slice3A_217 = vector.extract_strided_slice %exp3A {offsets = [120, 0], sizes = [8, 4096], strides = [1, 1]} : vector<256x4096xf32> to vector<8x4096xf32>
    %add3A_218 = arith.addf %add3A_216, %slice3A_217 : vector<8x4096xf32>
    %slice3A_219 = vector.extract_strided_slice %exp3A {offsets = [128, 0], sizes = [8, 4096], strides = [1, 1]} : vector<256x4096xf32> to vector<8x4096xf32>
    %add3A_220 = arith.addf %add3A_218, %slice3A_219 : vector<8x4096xf32>
    %slice3A_221 = vector.extract_strided_slice %exp3A {offsets = [136, 0], sizes = [8, 4096], strides = [1, 1]} : vector<256x4096xf32> to vector<8x4096xf32>
    %add3A_222 = arith.addf %add3A_220, %slice3A_221 : vector<8x4096xf32>
    %slice3A_223 = vector.extract_strided_slice %exp3A {offsets = [144, 0], sizes = [8, 4096], strides = [1, 1]} : vector<256x4096xf32> to vector<8x4096xf32>
    %add3A_224 = arith.addf %add3A_222, %slice3A_223 : vector<8x4096xf32>
    %slice3A_225 = vector.extract_strided_slice %exp3A {offsets = [152, 0], sizes = [8, 4096], strides = [1, 1]} : vector<256x4096xf32> to vector<8x4096xf32>
    %add3A_226 = arith.addf %add3A_224, %slice3A_225 : vector<8x4096xf32>
    %slice3A_227 = vector.extract_strided_slice %exp3A {offsets = [160, 0], sizes = [8, 4096], strides = [1, 1]} : vector<256x4096xf32> to vector<8x4096xf32>
    %add3A_228 = arith.addf %add3A_226, %slice3A_227 : vector<8x4096xf32>
    %slice3A_229 = vector.extract_strided_slice %exp3A {offsets = [168, 0], sizes = [8, 4096], strides = [1, 1]} : vector<256x4096xf32> to vector<8x4096xf32>
    %add3A_230 = arith.addf %add3A_228, %slice3A_229 : vector<8x4096xf32>
    %slice3A_231 = vector.extract_strided_slice %exp3A {offsets = [176, 0], sizes = [8, 4096], strides = [1, 1]} : vector<256x4096xf32> to vector<8x4096xf32>
    %add3A_232 = arith.addf %add3A_230, %slice3A_231 : vector<8x4096xf32>
    %slice3A_233 = vector.extract_strided_slice %exp3A {offsets = [184, 0], sizes = [8, 4096], strides = [1, 1]} : vector<256x4096xf32> to vector<8x4096xf32>
    %add3A_234 = arith.addf %add3A_232, %slice3A_233 : vector<8x4096xf32>
    %slice3A_235 = vector.extract_strided_slice %exp3A {offsets = [192, 0], sizes = [8, 4096], strides = [1, 1]} : vector<256x4096xf32> to vector<8x4096xf32>
    %add3A_236 = arith.addf %add3A_234, %slice3A_235 : vector<8x4096xf32>
    %slice3A_237 = vector.extract_strided_slice %exp3A {offsets = [200, 0], sizes = [8, 4096], strides = [1, 1]} : vector<256x4096xf32> to vector<8x4096xf32>
    %add3A_238 = arith.addf %add3A_236, %slice3A_237 : vector<8x4096xf32>
    %slice3A_239 = vector.extract_strided_slice %exp3A {offsets = [208, 0], sizes = [8, 4096], strides = [1, 1]} : vector<256x4096xf32> to vector<8x4096xf32>
    %add3A_240 = arith.addf %add3A_238, %slice3A_239 : vector<8x4096xf32>
    %slice3A_241 = vector.extract_strided_slice %exp3A {offsets = [216, 0], sizes = [8, 4096], strides = [1, 1]} : vector<256x4096xf32> to vector<8x4096xf32>
    %add3A_242 = arith.addf %add3A_240, %slice3A_241 : vector<8x4096xf32>
    %slice3A_243 = vector.extract_strided_slice %exp3A {offsets = [224, 0], sizes = [8, 4096], strides = [1, 1]} : vector<256x4096xf32> to vector<8x4096xf32>
    %add3A_244 = arith.addf %add3A_242, %slice3A_243 : vector<8x4096xf32>
    %slice3A_245 = vector.extract_strided_slice %exp3A {offsets = [232, 0], sizes = [8, 4096], strides = [1, 1]} : vector<256x4096xf32> to vector<8x4096xf32>
    %add3A_246 = arith.addf %add3A_244, %slice3A_245 : vector<8x4096xf32>
    %slice3A_247 = vector.extract_strided_slice %exp3A {offsets = [240, 0], sizes = [8, 4096], strides = [1, 1]} : vector<256x4096xf32> to vector<8x4096xf32>
    %add3A_248 = arith.addf %add3A_246, %slice3A_247 : vector<8x4096xf32>
    %slice3A_249 = vector.extract_strided_slice %exp3A {offsets = [248, 0], sizes = [8, 4096], strides = [1, 1]} : vector<256x4096xf32> to vector<8x4096xf32>
    %add3A_250 = arith.addf %add3A_248, %slice3A_249 : vector<8x4096xf32>
    %reshape3A_251 = vector.shape_cast %add3A_250 : vector<8x4096xf32> to vector<1x8x4096xf32>
    %swap3A_252 = arith.constant 0 : index
    %swap3A_253 = arith.constant 0 : index
    %swap3A_254 = arith.constant 0 : index
    %swap3A_255 = vector.load %arg5[%swap3A_252, %swap3A_253, %swap3A_254] : memref<1x8x4096xf32, #tpu.memory_space<vmem>>, vector<1x8x4096xf32>
    tpu.vector_store %arg5[%swap3A_252, %swap3A_253, %swap3A_254], %reshape3A_251 {strides = array<i32>} : memref<1x8x4096xf32, #tpu.memory_space<vmem>>, vector<1x8x4096xf32>,
    return
  }
  func.func @transform_0(%arg0: i32) -> (i32, i32) {
    %c0_i32 = arith.constant 0 : i32
    %c0_i32_0 = arith.constant 0 : i32
    return %arg0, %c0_i32 : i32, i32
  }
  func.func @transform_1(%arg0: i32) -> (i32, i32) {
    %c0_i32 = arith.constant 0 : i32
    %c0_i32_0 = arith.constant 0 : i32
    %c0_i32_1 = arith.constant 0 : i32
    return %c0_i32, %c0_i32_0 : i32, i32
  }
  func.func @transform_2(%arg0: i32) -> (i32, i32) {
    %c0_i32 = arith.constant 0 : i32
    %c0_i32_0 = arith.constant 0 : i32
    return %arg0, %c0_i32 : i32, i32
  }
  func.func @transform_3(%arg0: i32) -> (i32, i32, i32) {
    %c0_i32 = arith.constant 0 : i32
    %c0_i32_0 = arith.constant 0 : i32
    %c0_i32_1 = arith.constant 0 : i32
    return %arg0, %c0_i32, %c0_i32_0 : i32, i32, i32
  }
  func.func @transform_4(%arg0: i32) -> (i32, i32, i32) {
    %jit3A = arith.constant 4 : i32
    %div3A = arith.divsi %arg0, %jit3A : i32
    %sign3A = arith.constant 0 : i32
    %sign3A_0 = arith.cmpi sgt, %arg0, %sign3A : i32
    %sign3A_1 = arith.extui %sign3A_0 : i1 to i32
    %sign3A_2 = arith.constant 0 : i32
    %sign3A_3 = arith.cmpi slt, %arg0, %sign3A_2 : i32
    %sign3A_4 = arith.extui %sign3A_3 : i1 to i32
    %sign3A_5 = arith.subi %sign3A_1, %sign3A_4 : i32
    %sign3A_6 = arith.constant 0 : i32
    %sign3A_7 = arith.cmpi sgt, %jit3A, %sign3A_6 : i32
    %sign3A_8 = arith.extui %sign3A_7 : i1 to i32
    %sign3A_9 = arith.constant 0 : i32
    %sign3A_10 = arith.cmpi slt, %jit3A, %sign3A_9 : i32
    %sign3A_11 = arith.extui %sign3A_10 : i1 to i32
    %sign3A_12 = arith.subi %sign3A_8, %sign3A_11 : i32
    %ne3A = arith.cmpi ne, %sign3A_5, %sign3A_12 : i32
    %rem3A = arith.remsi %arg0, %jit3A : i32
    %ne3A_13 = arith.constant 0 : i32
    %ne3A_14 = arith.cmpi ne, %rem3A, %ne3A_13 : i32
    %and3A = arith.andi %ne3A, %ne3A_14 : i1
    %sub3A = arith.constant 1 : i32
    %sub3A_15 = arith.subi %div3A, %sub3A : i32
    %select_n3A = arith.select %and3A, %sub3A_15, %div3A : i32
    %c0_i32 = arith.constant 0 : i32
    %c0_i32_16 = arith.constant 0 : i32
    %c0_i32_17 = arith.constant 0 : i32
    return %select_n3A, %c0_i32, %c0_i32_16 : i32, i32, i32
  }
}

</mosaic_0001>

<sc_bundles>
// kernel: sparse-core-data-format-call.cloned.1.call-start
scs
called_computation_lowered:
.L_overlay_start_0:
0x0: {  	s1 =	sld [smem:$0x3FD9]  }
0x1: {  	s2 =	sld [smem:$0x3FFE];
	_ =	sdelay $0x1  }
0x2: {  	s3 =	srdreg.scid  }
0x3: {  	s0 =	sand.u32 $0x1, s3  }
0x4: {  	s17 =	sshll.u32 s0, $0xA;
	s1 =	sadd.s32 s2, s1  }
0x5: {  	s1 =	sadd.s32 s1, s17  }
0x6: {  	[smem:$0x3FC6] =	sst s1  }
0x7: {  	_ = 	snop  }
0x8: {  	(tm) =	ssettm $0x1  }
0x9: {  	s18 =	sld [smem:$0x3FFB];
	_ =	sdelay $0x3  }
0xa: {  	_ =	strace s18  }
0xb: {  	s1 =	sld [smem:$0x3FFC];
	_ =	sdelay $0x3  }
0xc: {  	_ =	strace s1  }
0xd: {  	s1 =	sld [smem:$0x3FFD];
	_ =	sdelay $0x3  }
0xe: {  	_ =	strace s1  }
0xf: {  	_ =	strace $0x8FFFFFFF  }
0x10: {  	s19 =	sld [smem:$0x3FDB];
	_ =	sdelay $0x1  }
0x11: {  	s20 =	simm.s32 $_scs_section_size  }
0x12: {  	s4 =	simm.s32 $_size__tile_overlayer_lowered;
	s5 =	simm.s32 $_tile_overlayer_lowered  }
0x13: {  	s23 =	simm.s32 $0x1BFF;
	s22 =	sshll.u32 s5, $0x1;
	s1 =	sadd.s32 s20, s19  }
0x14: {  	s6 =	simm.s32 $0x0;
	s21 =	sshll.u32 s4, $0x1;
	s4 =	sadd.s32 s22, s1  }
0x15: {  	[timem:s6], [sflag:s23] =	dma.local [hbm:s4], s21  }
0x16: {  	_ =	swait.ge [sflag:s23], s21  }
0x17: {  	s2 =	ssub.s32 $0x0, s21;
	[sflag:s23] =	ssyncset.done $0x0  }
0x18: {  	[sflag:s23] =	ssyncadd.s32 s2;
	_ =	sdelay $0x1  }
0x19: {  	s24 =	simm.s32 $0x1B8B  }
0x1a: {  	_ =	swait.ge [sflag:s24], $0x1  }
0x1b: {  	[sflag:s24] =	ssyncset.done $0x0  }
0x1c: {  	s26 =	simm.s32 $0x1B8E;
	s25 =	sld [smem:$0x3FFE];
	[sflag:s24] =	ssyncadd.s32 $0xFFFFFFFF  }
0x1d: {  	s27 =	simm.s32 $execute0_lowered;
	[smem:$0x3FD2] =	sst s26  }
0x1e: {  	s4 =	sshll.u32 s27, $0x1;
	_ =	strace $0x80000046;
	[dreg:$0x1] =	wrdreg $0xFFFFFFFF  }
0x1f: {  	s28 =	simm.s32 $_size_execute0_lowered;
	s1 =	sadd.s32 s1, s4;
	[dreg:$0x0] =	wrdreg $0x0  }
0x20: {  	s4 =	sshll.u32 s28, $0x1;
	[dreg:$0x2] =	wrdreg s1  }
0x21: {  	[dreg:$0x3] =	wrdreg s4  }
0x22: {  	[dreg:$0x4] =	wrdreg $0xC0  }
0x23: {  	_ =	task [dreg:s6], $0x5FFFF  }
0x24: {  	[dreg:$0x1] =	wrdreg $0xFFFFFFFF  }
0x25: {  	[dreg:$0x0] =	wrdreg $0x60  }
0x26: {  	[dreg:$0x2] =	wrdreg s25  }
0x27: {  	[dreg:$0x3] =	wrdreg $0x9  }
0x28: {  	_ =	task.clear_ibuf [dreg:s6], $0x4FFFF;
	_ =	strace $0x90000046  }
0x29: {  	s29 =	simm.s32 $0x9;
	_ =	strace $0x80000048  }
0x2a: {  	_ =	swait.ge [sflag:s29], $0x1  }
0x2b: {  	[sflag:s29] =	ssyncadd.s32 $0xFFFFFFFF  }
0x2c: {  	_ =	strace $0x90000048  }
0x2d: {  	_ =	sfence  }
0x2e: {  	s30 =	sld [smem:$0x0];
	_ =	sdelay $0x2  }
0x2f: {  	s31 =	sshll.u32 s3, $0xD;
	s3 =	sshrl.u32 s3, $0x2  }
0x30: {  	s2 =	sand.u32 $0x4000, s31;
	s1 =	sadd.s32 s3, s30  }
0x31: {  	s0 =	sor.u32 s2, s0;
	s1 =	sshll.u32 s1, $0x11  }
0x32: {  	s0 =	sor.u32 s1, s0  }
0x33: {  	s0 =	sadd.s32 $0x8F2B, s0  }
0x34: {  	[sflag:s0] =	ssyncadd.remote.s32 $0x1  }
0x35: {  	_ =	sfence.sel $0xFFFF  }
0x36: {  	[dreg:$0x0] =	wrdreg $0xFFFFFFFF;
	(pc) =	sbr.abs _section_cstart, $3  }
0x37: {  	[dreg:$0x1] =	wrdreg $0xFFFFFFFF  }
0x38: {  	_ =	task.clear_ibuf [dreg:s6], $0x2FFFF;
	_ =	strace $0x9FFFFFFF  }
0x39: {  	(tm) =	ssettm $0x7FFFFFFF  }
tec
execute0_lowered:
.L_overlay_start_1:
0x0: {  	(tag) =	ssettag $0x1  }
0x1: {  	s2 =	rddreg [dreg:$0x0]  }
0x2: {  	s0 =	rddreg [dreg:$0x1];
	_ =	strace $0x80000047;
	s4 =	srdreg.scid  }
0x3: {  	s1 =	stileid.u32;
	s6 =	simm.s32 $0x2;
	s11 =	simm.s32 $0x0  }
.Ltmp0:
0x4: {  	p0 =	por $0x0, $0x0;
	s7 =	simm.s32 $0x1000;
	(pc) =	sbr.rel .LBB1_1-.Ltmp0, $4  }
0x5: {  	s12 =	simm.s32 $0x0;
	s9 =	simm.s32 $0x0;
	s5 =	sshll.u32 s4, $0x4  }
0x6: {  	s8 =	simm.s32 $0x0;
	s4 =	simm.s32 $0x1;
	s5 =	sand.u32 $0x10, s5  }
0x7: {  	s3 =	sadd.s32 $0x200200, s2;
	[sflag:s4] =	ssyncpa.u1 $0x0;
	s5 =	sor.u32 s1, s5  }
0x8: {  	[sflag:s6] =	ssyncpa.u1 $0x0;
	s6 =	simm.s32 $0x800;
	s10 =	smov.u32 s5  }
.LBB1_7:
0x9: {  	s13 =	sadd.s32 $0x10, s9  }
0xa: {  	s11 =	sadd.s32 $0x20, s10;
	s15 =	smov.u32 s10;
	p2 =	sgt.s32 s13, $0x1F  }
0xb: {  	p1 =	slt.u32 s8, $0x2;
	s15 =	smov.u32 @p2 s11  }
0xc: {  	s8 =	sadd.s32 $0x1, s8;
	s13 =	simm.s32 @p2 $0x0;
	p2 =	sgt.s32 s15, $0x1FF  }
0xd: {  	s15 =	smov.u32 @p2 s5;
	p2 =	sne.s32 s8, $0x22  }
.Ltmp1:
0xe: {  	_ = 	snop;
	(pc) =	sbr.rel @!p2 .LBB1_8-.Ltmp1, $4  }
0xf: {  	s14 =	simm.s32 @!p1 $0x2  }
0x10: {  	s12 =	smov.u32 s10;
	_ =	swait.ge @!p1 [sflag:s14], $0x4000  }
0x11: {  	p0 =	por !p0, !p0;
	s11 =	smov.u32 s9;
	[sflag:s14] =	ssyncset.done @!p1 $0x0  }
0x12: {  	s9 =	smov.u32 s13;
	[sflag:s14] =	ssyncadd.s32 @!p1 $0xFFFFC000;
	s10 =	smov.u32 s15  }
.LBB1_1:
0x13: {  	p1 =	sgt.u32 s8, $0x1F  }
0x14: {  	s13 =	sxor.u32 @!p1 $0xFFFFFFFF, s8;
	s14 =	sshll.u32 @!p1 s10, $0xC  }
0x15: {  	s15 =	sshll.u32 @!p1 s9, $0x7;
	s13 =	sshll.u32 @!p1 s13, $0xE;
	s14 =	sadd.s32 @!p1 s3, s14  }
0x16: {  	s13 =	sand.u32 @!p1 $0x4000, s13;
	s14 =	sadd.s32 @!p1 s15, s14;
	s15 =	simm.s32 @!p1 $0x0  }
0x17: {  	[tilespmem:s13], [sflag:$0x1] =	stream.linear.gather @!p1 [hbm4b:s14+s15], $0x4000, $0x38;
	[tilespmem:$0x10000] =	vst v63  }
0x18: {  	p1 =	seq.s32 s8, $0x0  }
0x19: {  	p2 =	seq.s32 @!p1 s8, $0x21  }
0x1a: {  	p1 =	por p1, p2  }
.Ltmp2:
0x1b: {  	_ = 	snop;
	(pc) =	sbr.rel @p1 .LBB1_7-.Ltmp2, $1  }
0x1c: {  	_ =	sdelay $0x3  }
0x1d: {  	s13 =	simm.s32 $0x1;
	_ =	swait.ge [sflag:s4], $0x4000;
	s16 =	sshll.u32 s8, $0xE  }
0x1e: {  	s13 =	simm.s32 @!p0 $0x0;
	[sflag:s4] =	ssyncset.done $0x0;
	s31 =	sand.u32 $0x4000, s16  }
0x1f: {  	s16 =	simm.s32 $0x0;
	s14 =	sshll.u32 s13, $0xE;
	[sflag:s4] =	ssyncadd.s32 $0xFFFFC000  }
0x20: {  	s13 =	sor.u32 $0x8040, s14;
	s15 =	sor.u32 $0x40, s14;
	s14 =	sor.u32 $0x8000, s31  }
.LBB1_3:
0x21: {  	v0 =	vmov s15;
	_ =	sdelay $0x3  }
0x22: {  	s18 =	simm.s32 $0x0  }
0x23: {  	v6 =	vld.idx.msk [tilespmem:v0+s18+$0x30 ss:$0x1], $0xffff  }
0x24: {  	v7 =	vld.idx.msk [tilespmem:v0+s18+$0xFFFFFFC0 ss:$0x1], $0xffff  }
0x25: {  	v5 =	vld.idx.msk [tilespmem:v0+s18+$0xFFFFFFD0 ss:$0x1], $0xffff  }
0x26: {  	v4 =	vld.idx.msk [tilespmem:v0+s18+$0xFFFFFFE0 ss:$0x1], $0xffff  }
0x27: {  	v3 =	vld.idx.msk [tilespmem:v0+s18+$0xFFFFFFF0 ss:$0x1], $0xffff  }
0x28: {  	v1 =	vld.idx.msk [tilespmem:v0+s18+$0x0 ss:$0x1], $0xffff  }
0x29: {  	v2 =	vld.idx.msk [tilespmem:v0+s18+$0x10 ss:$0x1], $0xffff;
	[tilespmem:s13+$0x30] =	vst v6  }
0x2a: {  	s17 =	simm.s32 $0x80;
	s19 =	simm.s32 $0x400;
	[tilespmem:s13+$0xFFFFFFC0] =	vst v7;
	v6 =	vld.idx.msk [tilespmem:v0+s18+$0x20 ss:$0x1], $0xffff;
	s18 =	smov.u32 s13  }
.LBB1_4:
0x2b: {  	p1 =	sne.s32 s19, $0xE00;
	v7 =	vld.idx.msk [tilespmem:v0+s17+$0x30 ss:$0x1], $0xffff;
	[tilespmem:s18+$0xFFFFFFD0] =	vst v5  }
0x2c: {  	v8 =	vld.idx.msk [tilespmem:v0+s17+$0xFFFFFFC0 ss:$0x1], $0xffff;
	[tilespmem:s18+$0xFFFFFFE0] =	vst v4  }
0x2d: {  	v5 =	vld.idx.msk [tilespmem:v0+s17+$0xFFFFFFD0 ss:$0x1], $0xffff;
	[tilespmem:s18+$0xFFFFFFF0] =	vst v3  }
.Ltmp3:
0x2e: {  	v4 =	vld.idx.msk [tilespmem:v0+s17+$0xFFFFFFE0 ss:$0x1], $0xffff;
	[tilespmem:s18+$0x0] =	vst v1;
	(pc) =	sbr.rel @p1 .LBB1_4-.Ltmp3, $4  }
0x2f: {  	v3 =	vld.idx.msk [tilespmem:v0+s17+$0xFFFFFFF0 ss:$0x1], $0xffff;
	[tilespmem:s18+$0x10] =	vst v2  }
0x30: {  	v1 =	vld.idx.msk [tilespmem:v0+s17+$0x0 ss:$0x1], $0xffff;
	[tilespmem:s18+$0x20] =	vst v6;
	s18 =	sadd.s32 $0x800, s18  }
0x31: {  	v2 =	vld.idx.msk [tilespmem:v0+s17+$0x10 ss:$0x1], $0xffff;
	[tilespmem:s18+$0x30] =	vst v7  }
0x32: {  	[tilespmem:s18+$0xFFFFFFC0] =	vst v8;
	v6 =	vld.idx.msk [tilespmem:v0+s17+$0x20 ss:$0x1], $0xffff;
	s17 =	sshra.s32 s19, $0x2;
	s19 =	sadd.s32 $0x200, s19  }
0x33: {  	_ =	sdelay $0x2  }
0x34: {  	[tilespmem:s18+$0xFFFFFFD0] =	vst v5  }
0x35: {  	v56 =	vld.idx.msk [tilespmem:v0+s17+$0x30 ss:$0x1], $0xffff;
	[tilespmem:s18+$0xFFFFFFE0] =	vst v4  }
0x36: {  	v57 =	vld.idx.msk [tilespmem:v0+s17+$0xFFFFFFC0 ss:$0x1], $0xffff;
	[tilespmem:s18+$0xFFFFFFF0] =	vst v3  }
0x37: {  	v58 =	vld.idx.msk [tilespmem:v0+s17+$0xFFFFFFD0 ss:$0x1], $0xffff;
	[tilespmem:s18+$0x0] =	vst v1  }
0x38: {  	v59 =	vld.idx.msk [tilespmem:v0+s17+$0xFFFFFFE0 ss:$0x1], $0xffff;
	[tilespmem:s18+$0x10] =	vst v2  }
0x39: {  	v60 =	vld.idx.msk [tilespmem:v0+s17+$0xFFFFFFF0 ss:$0x1], $0xffff;
	s31 =	sadd.s32 $0x800, s18;
	[tilespmem:s18+$0x20] =	vst v6  }
0x3a: {  	v61 =	vld.idx.msk [tilespmem:v0+s17+$0x0 ss:$0x1], $0xffff;
	[tilespmem:s31+$0x30] =	vst v56  }
0x3b: {  	v62 =	vld.idx.msk [tilespmem:v0+s17+$0x10 ss:$0x1], $0xffff;
	s16 =	sadd.s32 $0x1, s16;
	[tilespmem:s31+$0xFFFFFFC0] =	vst v57  }
0x3c: {  	v63 =	vld.idx.msk [tilespmem:v0+s17+$0x20 ss:$0x1], $0xffff;
	p1 =	sne.s32 s16, $0x10;
	[tilespmem:s31+$0xFFFFFFD0] =	vst v58  }
.Ltmp4:
0x3d: {  	[tilespmem:s31+$0xFFFFFFE0] =	vst v59;
	(pc) =	sbr.rel @p1 .LBB1_3-.Ltmp4, $4  }
0x3e: {  	[tilespmem:s31+$0xFFFFFFF0] =	vst v60  }
0x3f: {  	[tilespmem:s31+$0x0] =	vst v61  }
0x40: {  	[tilespmem:s31+$0x10] =	vst v62  }
0x41: {  	s13 =	sadd.s32 $0x80, s13;
	s15 =	sadd.s32 $0x400, s15;
	[tilespmem:s31+$0x20] =	vst v63  }
.Ltmp5:
0x42: {  	(pc) =	sbr.rel .LBB1_7-.Ltmp5, $4  }
0x43: {  	s12 =	sshll.u32 s12, $0xC;
	s11 =	sshll.u32 s11, $0x4  }
0x44: {  	s11 =	sand.u32 $0x1F0, s11;
	s12 =	sadd.s32 s2, s12  }
0x45: {  	s11 =	sadd.s32 s11, s12  }
0x46: {  	[hbm4b:s11+s6] =	stream.strided.scatter [tilespmem:s14], [sflag:$0x2], $0x4000, s7, s6, $0x38;
	[tilespmem:$0x10000] =	vst v63  }
.LBB1_8:
0x47: {  	_ =	sfence.sel $0x180000  }
0x48: {  	s2 =	simm.s32 $0x1;
	[bflag:$0x0] =	sbarrier.arrive $0xFFFF  }
0x49: {  	s31 =	simm.s32 $0x2;
	[sflag:s2] =	ssyncpa.u1 $0x1  }
0x4a: {  	[sflag:s31] =	ssyncpa.u1 $0x1  }
0x4b: {  	p0 =	sne.s32 s1, $0x0;
	_ =	strace $0x90000047  }
0x4c: {  	s0 =	sadd.s32 @!p0 $0x100000, s0;
	[bflag:$0x2] =	sbarrier.arrive $0xFFFF  }
0x4d: {  	[sflag:s0] =	ssyncadd.tile.s32 @!p0 $0x1;
	_ =	shalt  }
.Lfunc_end1:
_tile_overlayer_lowered:
.L_overlay_start_2:
0x4e: {  	(tag) =	ssettag $0x2  }
0x4f: {  	s0 =	rddreg [dreg:$0x0];
	s2 =	stileid.u32  }
0x50: {  	s1 =	rddreg [dreg:$0x1];
	p0 =	sne.s32 s2, $0x0  }
0x51: {  	s3 =	rddreg [dreg:$0x2];
	[bflag:$0x3] =	sbarrier.arrive $0xFFFF;
	s2 =	simm.s32 @!p0 $0x1C01  }
0x52: {  	[timem:s3], [sflag:s2] =	dma.local @!p0 [hbm:s0], s1  }
0x53: {  	s0 =	simm.s32 @!p0 $0x1  }
0x54: {  	_ =	swait.ge @!p0 [sflag:s0], s1  }
0x55: {  	s1 =	ssub.s32 @!p0 $0x0, s1;
	[sflag:s0] =	ssyncset.done @!p0 $0x0  }
0x56: {  	[sflag:s0] =	ssyncadd.s32 @!p0 s1  }
0x57: {  	[bflag:$0x3] =	sbarrier.arrive $0xFFFF  }
0x58: {  	_ =	shalt  }

</sc_bundles>
